<compile_context>
chip_gen: v7x
topology: tpu7x:2x2x1
jax: 0.10.2.dev20260603
libtpu: 0.0.44.dev20260713+nightly
codegen_flags: <defaults>
</compile_context>

<pallas_src>
import functools

import jax
import jax.numpy as jnp
from jax import lax
from jax.experimental import pallas as pl
from jax.experimental.pallas import tpu as pltpu
from jax.experimental.pallas import tpu_sc as plsc

N_NODES = 10000
N_EDGES = 160000
D = 256

NW = 32
E_PER_W = 5008
E_PAD = NW * E_PER_W
N_PAD = 10016


def _matvec_tc(x, w):
    def body(x_ref, w_ref, o_ref):
        o_ref[...] = lax.dot_general(
            x_ref[...], w_ref[...], (((1,), (0,)), ((), ())),
            preferred_element_type=jnp.float32)

    return pl.pallas_call(
        body,
        grid=(5,),
        in_specs=[pl.BlockSpec((2000, D), lambda i: (i, 0)),
                  pl.BlockSpec((D, 1), lambda i: (0, 0))],
        out_specs=pl.BlockSpec((2000, 1), lambda i: (i, 0)),
        out_shape=jax.ShapeDtypeStruct((N_NODES, 1), jnp.float32),
    )(x, w)


def _combine_tc(parts, bias):
    def body(p_ref, b_ref, o_ref):
        o_ref[...] = jnp.sum(p_ref[...], axis=0, keepdims=True) + b_ref[0]

    return pl.pallas_call(
        body,
        out_shape=jax.ShapeDtypeStruct((1, N_PAD), jnp.float32),
    )(parts, bias)


@functools.cache
def _make_segsum_sc():
    mesh = plsc.VectorSubcoreMesh(core_axis_name="c", subcore_axis_name="s",
                                  num_cores=2, num_subcores=16)

    @functools.partial(
        pl.kernel,
        mesh=mesh,
        compiler_params=pltpu.CompilerParams(needs_layout_passes=False),
        out_type=jax.ShapeDtypeStruct((NW, N_PAD), jnp.float32),
        scratch_types=[
            pltpu.VMEM((E_PER_W,), jnp.int32),
            pltpu.VMEM((E_PER_W,), jnp.int32),
            pltpu.VMEM((N_PAD,), jnp.float32),
            pltpu.VMEM((N_PAD,), jnp.float32),
        ],
    )
    def segsum(y_hbm, src_hbm, dst_hbm, out_hbm, src_v, dst_v, y_v, z_v):
        wid = lax.axis_index("s") * 2 + lax.axis_index("c")
        base = wid * E_PER_W
        pltpu.sync_copy(src_hbm.at[pl.ds(base, E_PER_W)], src_v)
        pltpu.sync_copy(dst_hbm.at[pl.ds(base, E_PER_W)], dst_v)
        pltpu.sync_copy(y_hbm, y_v)

        @plsc.parallel_loop(0, N_PAD, 16, unroll=8)
        def _zero(i):
            z_v[pl.ds(i, 16)] = jnp.zeros((16,), jnp.float32)

        @plsc.parallel_loop(0, E_PER_W, 16, unroll=8)
        def _edges(i):
            s16 = src_v[pl.ds(i, 16)]
            d16 = dst_v[pl.ds(i, 16)]
            vals = plsc.load_gather(y_v, [s16])
            plsc.addupdate_scatter(z_v, [d16], vals)

        pltpu.sync_copy(z_v, out_hbm.at[wid])

    return segsum


def kernel(x, edge_index, W, b):
    _segsum_sc = _make_segsum_sc()
    src = edge_index[0].astype(jnp.int32)
    dst = edge_index[1].astype(jnp.int32)
    pad = jnp.full((E_PAD - N_EDGES,), N_NODES, jnp.int32)
    src = jnp.concatenate([src, pad])
    dst = jnp.concatenate([dst, pad])

    y = _matvec_tc(x, W)
    y_pad = jnp.pad(y[:, 0], (0, N_PAD - N_NODES))

    parts1 = _segsum_sc(y_pad, src, dst)
    z1 = _combine_tc(parts1, jnp.zeros((1,), jnp.float32))[0]

    parts2 = _segsum_sc(z1, src, dst)
    z2 = _combine_tc(parts2, b)

    return z2[0, :N_NODES, None]

# --- scband reference (transcript-rebuilt; emitter-appended) ---
"""Pipeline reference for scband-mpnnmodel-25537875542170 (READ-ONLY COPY).

The authoritative reference and input builder live on the scoring server;
editing this copy changes nothing except your own understanding.
"""

import jax, jax.numpy as jnp
import numpy as np

N_NODES = 10000
N_EDGES = 160000
D = 256

def setup_inputs(seed: int = 0) -> dict:
    key = jax.random.key(seed)
    k1, k2, k3, k4 = jax.random.split(key, 4)
    x = jax.random.normal(k1, (N_NODES, D), dtype=jnp.float32)
    edge_index = jax.random.randint(k2, (2, N_EDGES), 0, N_NODES, dtype=jnp.int64)
    # fc: Linear(out_channels=256, 1)
    W = jax.random.normal(k3, (D, 1), dtype=jnp.float32) * (1.0 / np.sqrt(D))
    b = jax.random.normal(k4, (1,), dtype=jnp.float32) * 0.01
    return {"x": x, "edge_index": edge_index, "W": W, "b": b}

def _mp_add(h, edge_index):
    # message passing with aggr='add': out[dst] += h[src]
    src = edge_index[0]
    dst = edge_index[1]
    msgs = jnp.take(h, src, axis=0)
    return jax.ops.segment_sum(msgs, dst, num_segments=N_NODES)

def reference(x, edge_index, W, b):
    h = _mp_add(x, edge_index)   # conv1
    h = _mp_add(h, edge_index)   # conv2
    out = h @ W + b              # fc
    return out

if __name__ == "__main__":
    import jax
    _d = setup_inputs()
    print(jax.jit(kernel)(*tuple(_d.values())))

</pallas_src>

<mosaic_0001>
#map = affine_map<(d0, d1) -> (0)>
#map1 = affine_map<(d0, d1) -> (0, 0)>
module attributes {stable_mosaic.version = 14 : i64} {
  func.func @segsum(%arg0: i32, %arg1: i32, %arg2: memref<10016xf32, #tpu.memory_space<hbm>>, %arg3: memref<160256xi32, #tpu.memory_space<hbm>>, %arg4: memref<160256xi32, #tpu.memory_space<hbm>>, %arg5: memref<32x10016xf32, #tpu.memory_space<hbm>>, %arg6: memref<5008xi32, #tpu.memory_space<vmem>>, %arg7: memref<5008xi32, #tpu.memory_space<vmem>>, %arg8: memref<10016xf32, #tpu.memory_space<vmem>>, %arg9: memref<10016xf32, #tpu.memory_space<vmem>>) attributes {dimension_semantics = [#tpu.dimension_semantics<core_parallel>, #tpu.dimension_semantics<subcore_parallel>], iteration_bounds = array<i64: 2, 16>, scalar_prefetch = 0 : i64, scratch_operands = 4 : i64, tpu.core_type = #tpu.core_type<sc_vector_subcore>, window_params = [{transform_indices = #map}, {transform_indices = #map}, {transform_indices = #map}, {transform_indices = #map1}]} {
    %mul3A = arith.constant 2 : i32
    %mul3A_0 = arith.muli %arg1, %mul3A : i32
    %add3A = arith.addi %mul3A_0, %arg0 : i32
    %mul3A_1 = arith.constant 5008 : i32
    %mul3A_2 = arith.muli %add3A, %mul3A_1 : i32
    "tpu.region"() ({
      %run_scoped3A = tpu.sem_alloc : memref<!tpu.dma_semaphore, #tpu.memory_space<semaphore_mem>>
      %dma_start3A = tpu.memref_slice %arg3[%mul3A_2] : memref<160256xi32, #tpu.memory_space<hbm>> -> memref<5008xi32, #tpu.memory_space<hbm>>
      %dma_start3A_8 = tpu.memref_slice %arg3[%mul3A_2] : memref<160256xi32, #tpu.memory_space<hbm>> -> memref<5008xi32, #tpu.memory_space<hbm>>
      tpu.enqueue_dma source(%dma_start3A_8 : memref<5008xi32, #tpu.memory_space<hbm>>) target(%arg6 : memref<5008xi32, #tpu.memory_space<vmem>>) target_semaphore(%run_scoped3A : memref<!tpu.dma_semaphore, #tpu.memory_space<semaphore_mem>>)
      %dma_wait3A = tpu.memref_slice %arg3[%mul3A_2] : memref<160256xi32, #tpu.memory_space<hbm>> -> memref<5008xi32, #tpu.memory_space<hbm>>
      %dma_wait3A_9 = tpu.memref_slice %arg3[%mul3A_2] : memref<160256xi32, #tpu.memory_space<hbm>> -> memref<5008xi32, #tpu.memory_space<hbm>>
      tpu.wait_dma2 semaphore(%run_scoped3A : memref<!tpu.dma_semaphore, #tpu.memory_space<semaphore_mem>>) src(%dma_wait3A_9 : memref<5008xi32, #tpu.memory_space<hbm>>) dst(%arg6 : memref<5008xi32, #tpu.memory_space<vmem>>)
      tpu.yield
    }) : () -> ()
    "tpu.region"() ({
      %run_scoped3A = tpu.sem_alloc : memref<!tpu.dma_semaphore, #tpu.memory_space<semaphore_mem>>
      %dma_start3A = tpu.memref_slice %arg4[%mul3A_2] : memref<160256xi32, #tpu.memory_space<hbm>> -> memref<5008xi32, #tpu.memory_space<hbm>>
      %dma_start3A_8 = tpu.memref_slice %arg4[%mul3A_2] : memref<160256xi32, #tpu.memory_space<hbm>> -> memref<5008xi32, #tpu.memory_space<hbm>>
      tpu.enqueue_dma source(%dma_start3A_8 : memref<5008xi32, #tpu.memory_space<hbm>>) target(%arg7 : memref<5008xi32, #tpu.memory_space<vmem>>) target_semaphore(%run_scoped3A : memref<!tpu.dma_semaphore, #tpu.memory_space<semaphore_mem>>)
      %dma_wait3A = tpu.memref_slice %arg4[%mul3A_2] : memref<160256xi32, #tpu.memory_space<hbm>> -> memref<5008xi32, #tpu.memory_space<hbm>>
      %dma_wait3A_9 = tpu.memref_slice %arg4[%mul3A_2] : memref<160256xi32, #tpu.memory_space<hbm>> -> memref<5008xi32, #tpu.memory_space<hbm>>
      tpu.wait_dma2 semaphore(%run_scoped3A : memref<!tpu.dma_semaphore, #tpu.memory_space<semaphore_mem>>) src(%dma_wait3A_9 : memref<5008xi32, #tpu.memory_space<hbm>>) dst(%arg7 : memref<5008xi32, #tpu.memory_space<vmem>>)
      tpu.yield
    }) : () -> ()
    "tpu.region"() ({
      %run_scoped3A = tpu.sem_alloc : memref<!tpu.dma_semaphore, #tpu.memory_space<semaphore_mem>>
      tpu.enqueue_dma source(%arg2 : memref<10016xf32, #tpu.memory_space<hbm>>) target(%arg8 : memref<10016xf32, #tpu.memory_space<vmem>>) target_semaphore(%run_scoped3A : memref<!tpu.dma_semaphore, #tpu.memory_space<semaphore_mem>>)
      tpu.wait_dma2 semaphore(%run_scoped3A : memref<!tpu.dma_semaphore, #tpu.memory_space<semaphore_mem>>) src(%arg2 : memref<10016xf32, #tpu.memory_space<hbm>>) dst(%arg8 : memref<10016xf32, #tpu.memory_space<vmem>>)
      tpu.yield
    }) : () -> ()
    %parallel_loop3A = arith.constant 0 : i32
    %parallel_loop3A_3 = arith.constant 10016 : i32
    %parallel_loop3A_4 = arith.constant 16 : i32
    scf.for %parallel_loop3A_8 = %parallel_loop3A to %parallel_loop3A_3 step %parallel_loop3A_4  : i32 {
      %parallel_loop3A_9 = arith.constant 0.000000e+00 : f32
      %parallel_loop3A_10 = vector.broadcast %parallel_loop3A_9 : f32 to vector<16xf32>
      %parallel_loop3A_11 = arith.index_cast %parallel_loop3A_8 : i32 to index
      %parallel_loop3A_12 = tpu.vector_load %arg9[%parallel_loop3A_11] {strides = array<i32>} : memref<10016xf32, #tpu.memory_space<vmem>>, vector<16xf32>,
      tpu.vector_store %arg9[%parallel_loop3A_11], %parallel_loop3A_10 {strides = array<i32>} : memref<10016xf32, #tpu.memory_space<vmem>>, vector<16xf32>,
    } {sc.loop_unroll_factor = 8 : i64, sc.parallel_access}
    %parallel_loop3A_5 = arith.constant 0 : i32
    %parallel_loop3A_6 = arith.constant 5008 : i32
    %parallel_loop3A_7 = arith.constant 16 : i32
    scf.for %parallel_loop3A_8 = %parallel_loop3A_5 to %parallel_loop3A_6 step %parallel_loop3A_7  : i32 {
      %parallel_loop3A_9 = arith.index_cast %parallel_loop3A_8 : i32 to index
      %parallel_loop3A_10 = tpu.vector_load %arg6[%parallel_loop3A_9] {strides = array<i32>} : memref<5008xi32, #tpu.memory_space<vmem>>, vector<16xi32>,
      %parallel_loop3A_11 = arith.index_cast %parallel_loop3A_8 : i32 to index
      %parallel_loop3A_12 = tpu.vector_load %arg7[%parallel_loop3A_11] {strides = array<i32>} : memref<5008xi32, #tpu.memory_space<vmem>>, vector<16xi32>,
      %parallel_loop3A_13 = tpu.vector_load_idx %arg8[%parallel_loop3A_10] : memref<10016xf32, #tpu.memory_space<vmem>>[vector<16xi32>], vector<16xf32>,
      tpu.vector_store_idx %arg9[%parallel_loop3A_12], %parallel_loop3A_13 {add = true} : memref<10016xf32, #tpu.memory_space<vmem>>[vector<16xi32>], vector<16xf32>,
    } {sc.loop_unroll_factor = 8 : i64, sc.parallel_access}
    "tpu.region"() ({
      %run_scoped3A = tpu.sem_alloc : memref<!tpu.dma_semaphore, #tpu.memory_space<semaphore_mem>>
      %dma_start3A = arith.constant 0 : i32
      %dma_start3A_8 = tpu.memref_slice %arg5[%add3A, %dma_start3A] : memref<32x10016xf32, #tpu.memory_space<hbm>> -> memref<1x10016xf32, #tpu.memory_space<hbm>>
      %dma_start3A_9 = tpu.memref_squeeze %dma_start3A_8 : memref<1x10016xf32, #tpu.memory_space<hbm>> -> memref<10016xf32, #tpu.memory_space<hbm>>
      %dma_start3A_10 = arith.constant 0 : i32
      %dma_start3A_11 = tpu.memref_slice %arg5[%add3A, %dma_start3A_10] : memref<32x10016xf32, #tpu.memory_space<hbm>> -> memref<1x10016xf32, #tpu.memory_space<hbm>>
      %dma_start3A_12 = tpu.memref_squeeze %dma_start3A_11 : memref<1x10016xf32, #tpu.memory_space<hbm>> -> memref<10016xf32, #tpu.memory_space<hbm>>
      tpu.enqueue_dma source(%arg9 : memref<10016xf32, #tpu.memory_space<vmem>>) target(%dma_start3A_12 : memref<10016xf32, #tpu.memory_space<hbm>>) target_semaphore(%run_scoped3A : memref<!tpu.dma_semaphore, #tpu.memory_space<semaphore_mem>>)
      %dma_wait3A = arith.constant 0 : i32
      %dma_wait3A_13 = tpu.memref_slice %arg5[%add3A, %dma_wait3A] : memref<32x10016xf32, #tpu.memory_space<hbm>> -> memref<1x10016xf32, #tpu.memory_space<hbm>>
      %dma_wait3A_14 = tpu.memref_squeeze %dma_wait3A_13 : memref<1x10016xf32, #tpu.memory_space<hbm>> -> memref<10016xf32, #tpu.memory_space<hbm>>
      %dma_wait3A_15 = arith.constant 0 : i32
      %dma_wait3A_16 = tpu.memref_slice %arg5[%add3A, %dma_wait3A_15] : memref<32x10016xf32, #tpu.memory_space<hbm>> -> memref<1x10016xf32, #tpu.memory_space<hbm>>
      %dma_wait3A_17 = tpu.memref_squeeze %dma_wait3A_16 : memref<1x10016xf32, #tpu.memory_space<hbm>> -> memref<10016xf32, #tpu.memory_space<hbm>>
      tpu.wait_dma2 semaphore(%run_scoped3A : memref<!tpu.dma_semaphore, #tpu.memory_space<semaphore_mem>>) src(%arg9 : memref<10016xf32, #tpu.memory_space<vmem>>) dst(%dma_wait3A_17 : memref<10016xf32, #tpu.memory_space<hbm>>)
      tpu.yield
    }) : () -> ()
    return
  }
}

#map = affine_map<(d0, d1) -> (0)>
#map1 = affine_map<(d0, d1) -> (0, 0)>
module attributes {stable_mosaic.version = 14 : i64} {
  func.func @segsum(%arg0: i32, %arg1: i32, %arg2: memref<10016xf32, #tpu.memory_space<hbm>>, %arg3: memref<160256xi32, #tpu.memory_space<hbm>>, %arg4: memref<160256xi32, #tpu.memory_space<hbm>>, %arg5: memref<32x10016xf32, #tpu.memory_space<hbm>>, %arg6: memref<5008xi32, #tpu.memory_space<vmem>>, %arg7: memref<5008xi32, #tpu.memory_space<vmem>>, %arg8: memref<10016xf32, #tpu.memory_space<vmem>>, %arg9: memref<10016xf32, #tpu.memory_space<vmem>>) attributes {dimension_semantics = [#tpu.dimension_semantics<core_parallel>, #tpu.dimension_semantics<subcore_parallel>], iteration_bounds = array<i64: 2, 16>, scalar_prefetch = 0 : i64, scratch_operands = 4 : i64, tpu.core_type = #tpu.core_type<sc_vector_subcore>, window_params = [{transform_indices = #map}, {transform_indices = #map}, {transform_indices = #map}, {transform_indices = #map1}]} {
    %mul3A = arith.constant 2 : i32
    %mul3A_0 = arith.muli %arg1, %mul3A : i32
    %add3A = arith.addi %mul3A_0, %arg0 : i32
    %mul3A_1 = arith.constant 5008 : i32
    %mul3A_2 = arith.muli %add3A, %mul3A_1 : i32
    "tpu.region"() ({
      %run_scoped3A = tpu.sem_alloc : memref<!tpu.dma_semaphore, #tpu.memory_space<semaphore_mem>>
      %dma_start3A = tpu.memref_slice %arg3[%mul3A_2] : memref<160256xi32, #tpu.memory_space<hbm>> -> memref<5008xi32, #tpu.memory_space<hbm>>
      %dma_start3A_8 = tpu.memref_slice %arg3[%mul3A_2] : memref<160256xi32, #tpu.memory_space<hbm>> -> memref<5008xi32, #tpu.memory_space<hbm>>
      tpu.enqueue_dma source(%dma_start3A_8 : memref<5008xi32, #tpu.memory_space<hbm>>) target(%arg6 : memref<5008xi32, #tpu.memory_space<vmem>>) target_semaphore(%run_scoped3A : memref<!tpu.dma_semaphore, #tpu.memory_space<semaphore_mem>>)
      %dma_wait3A = tpu.memref_slice %arg3[%mul3A_2] : memref<160256xi32, #tpu.memory_space<hbm>> -> memref<5008xi32, #tpu.memory_space<hbm>>
      %dma_wait3A_9 = tpu.memref_slice %arg3[%mul3A_2] : memref<160256xi32, #tpu.memory_space<hbm>> -> memref<5008xi32, #tpu.memory_space<hbm>>
      tpu.wait_dma2 semaphore(%run_scoped3A : memref<!tpu.dma_semaphore, #tpu.memory_space<semaphore_mem>>) src(%dma_wait3A_9 : memref<5008xi32, #tpu.memory_space<hbm>>) dst(%arg6 : memref<5008xi32, #tpu.memory_space<vmem>>)
      tpu.yield
    }) : () -> ()
    "tpu.region"() ({
      %run_scoped3A = tpu.sem_alloc : memref<!tpu.dma_semaphore, #tpu.memory_space<semaphore_mem>>
      %dma_start3A = tpu.memref_slice %arg4[%mul3A_2] : memref<160256xi32, #tpu.memory_space<hbm>> -> memref<5008xi32, #tpu.memory_space<hbm>>
      %dma_start3A_8 = tpu.memref_slice %arg4[%mul3A_2] : memref<160256xi32, #tpu.memory_space<hbm>> -> memref<5008xi32, #tpu.memory_space<hbm>>
      tpu.enqueue_dma source(%dma_start3A_8 : memref<5008xi32, #tpu.memory_space<hbm>>) target(%arg7 : memref<5008xi32, #tpu.memory_space<vmem>>) target_semaphore(%run_scoped3A : memref<!tpu.dma_semaphore, #tpu.memory_space<semaphore_mem>>)
      %dma_wait3A = tpu.memref_slice %arg4[%mul3A_2] : memref<160256xi32, #tpu.memory_space<hbm>> -> memref<5008xi32, #tpu.memory_space<hbm>>
      %dma_wait3A_9 = tpu.memref_slice %arg4[%mul3A_2] : memref<160256xi32, #tpu.memory_space<hbm>> -> memref<5008xi32, #tpu.memory_space<hbm>>
      tpu.wait_dma2 semaphore(%run_scoped3A : memref<!tpu.dma_semaphore, #tpu.memory_space<semaphore_mem>>) src(%dma_wait3A_9 : memref<5008xi32, #tpu.memory_space<hbm>>) dst(%arg7 : memref<5008xi32, #tpu.memory_space<vmem>>)
      tpu.yield
    }) : () -> ()
    "tpu.region"() ({
      %run_scoped3A = tpu.sem_alloc : memref<!tpu.dma_semaphore, #tpu.memory_space<semaphore_mem>>
      tpu.enqueue_dma source(%arg2 : memref<10016xf32, #tpu.memory_space<hbm>>) target(%arg8 : memref<10016xf32, #tpu.memory_space<vmem>>) target_semaphore(%run_scoped3A : memref<!tpu.dma_semaphore, #tpu.memory_space<semaphore_mem>>)
      tpu.wait_dma2 semaphore(%run_scoped3A : memref<!tpu.dma_semaphore, #tpu.memory_space<semaphore_mem>>) src(%arg2 : memref<10016xf32, #tpu.memory_space<hbm>>) dst(%arg8 : memref<10016xf32, #tpu.memory_space<vmem>>)
      tpu.yield
    }) : () -> ()
    %parallel_loop3A = arith.constant 0 : i32
    %parallel_loop3A_3 = arith.constant 10016 : i32
    %parallel_loop3A_4 = arith.constant 16 : i32
    scf.for %parallel_loop3A_8 = %parallel_loop3A to %parallel_loop3A_3 step %parallel_loop3A_4  : i32 {
      %parallel_loop3A_9 = arith.constant 0.000000e+00 : f32
      %parallel_loop3A_10 = vector.broadcast %parallel_loop3A_9 : f32 to vector<16xf32>
      %parallel_loop3A_11 = arith.index_cast %parallel_loop3A_8 : i32 to index
      %parallel_loop3A_12 = tpu.vector_load %arg9[%parallel_loop3A_11] {strides = array<i32>} : memref<10016xf32, #tpu.memory_space<vmem>>, vector<16xf32>,
      tpu.vector_store %arg9[%parallel_loop3A_11], %parallel_loop3A_10 {strides = array<i32>} : memref<10016xf32, #tpu.memory_space<vmem>>, vector<16xf32>,
    } {sc.loop_unroll_factor = 8 : i64, sc.parallel_access}
    %parallel_loop3A_5 = arith.constant 0 : i32
    %parallel_loop3A_6 = arith.constant 5008 : i32
    %parallel_loop3A_7 = arith.constant 16 : i32
    scf.for %parallel_loop3A_8 = %parallel_loop3A_5 to %parallel_loop3A_6 step %parallel_loop3A_7  : i32 {
      %parallel_loop3A_9 = arith.index_cast %parallel_loop3A_8 : i32 to index
      %parallel_loop3A_10 = tpu.vector_load %arg6[%parallel_loop3A_9] {strides = array<i32>} : memref<5008xi32, #tpu.memory_space<vmem>>, vector<16xi32>,
      %parallel_loop3A_11 = arith.index_cast %parallel_loop3A_8 : i32 to index
      %parallel_loop3A_12 = tpu.vector_load %arg7[%parallel_loop3A_11] {strides = array<i32>} : memref<5008xi32, #tpu.memory_space<vmem>>, vector<16xi32>,
      %parallel_loop3A_13 = tpu.vector_load_idx %arg8[%parallel_loop3A_10] : memref<10016xf32, #tpu.memory_space<vmem>>[vector<16xi32>], vector<16xf32>,
      tpu.vector_store_idx %arg9[%parallel_loop3A_12], %parallel_loop3A_13 {add = true} : memref<10016xf32, #tpu.memory_space<vmem>>[vector<16xi32>], vector<16xf32>,
    } {sc.loop_unroll_factor = 8 : i64, sc.parallel_access}
    "tpu.region"() ({
      %run_scoped3A = tpu.sem_alloc : memref<!tpu.dma_semaphore, #tpu.memory_space<semaphore_mem>>
      %dma_start3A = arith.constant 0 : i32
      %dma_start3A_8 = tpu.memref_slice %arg5[%add3A, %dma_start3A] : memref<32x10016xf32, #tpu.memory_space<hbm>> -> memref<1x10016xf32, #tpu.memory_space<hbm>>
      %dma_start3A_9 = tpu.memref_squeeze %dma_start3A_8 : memref<1x10016xf32, #tpu.memory_space<hbm>> -> memref<10016xf32, #tpu.memory_space<hbm>>
      %dma_start3A_10 = arith.constant 0 : i32
      %dma_start3A_11 = tpu.memref_slice %arg5[%add3A, %dma_start3A_10] : memref<32x10016xf32, #tpu.memory_space<hbm>> -> memref<1x10016xf32, #tpu.memory_space<hbm>>
      %dma_start3A_12 = tpu.memref_squeeze %dma_start3A_11 : memref<1x10016xf32, #tpu.memory_space<hbm>> -> memref<10016xf32, #tpu.memory_space<hbm>>
      tpu.enqueue_dma source(%arg9 : memref<10016xf32, #tpu.memory_space<vmem>>) target(%dma_start3A_12 : memref<10016xf32, #tpu.memory_space<hbm>>) target_semaphore(%run_scoped3A : memref<!tpu.dma_semaphore, #tpu.memory_space<semaphore_mem>>)
      %dma_wait3A = arith.constant 0 : i32
      %dma_wait3A_13 = tpu.memref_slice %arg5[%add3A, %dma_wait3A] : memref<32x10016xf32, #tpu.memory_space<hbm>> -> memref<1x10016xf32, #tpu.memory_space<hbm>>
      %dma_wait3A_14 = tpu.memref_squeeze %dma_wait3A_13 : memref<1x10016xf32, #tpu.memory_space<hbm>> -> memref<10016xf32, #tpu.memory_space<hbm>>
      %dma_wait3A_15 = arith.constant 0 : i32
      %dma_wait3A_16 = tpu.memref_slice %arg5[%add3A, %dma_wait3A_15] : memref<32x10016xf32, #tpu.memory_space<hbm>> -> memref<1x10016xf32, #tpu.memory_space<hbm>>
      %dma_wait3A_17 = tpu.memref_squeeze %dma_wait3A_16 : memref<1x10016xf32, #tpu.memory_space<hbm>> -> memref<10016xf32, #tpu.memory_space<hbm>>
      tpu.wait_dma2 semaphore(%run_scoped3A : memref<!tpu.dma_semaphore, #tpu.memory_space<semaphore_mem>>) src(%arg9 : memref<10016xf32, #tpu.memory_space<vmem>>) dst(%dma_wait3A_17 : memref<10016xf32, #tpu.memory_space<hbm>>)
      tpu.yield
    }) : () -> ()
    return
  }
}

module attributes {stable_mosaic.version = 14 : i64} {
  func.func @body(%arg0: i32, %arg1: memref<2000x256xf32, #tpu.memory_space<vmem>>, %arg2: memref<256x1xf32, #tpu.memory_space<vmem>>, %arg3: memref<2000x1xf32, #tpu.memory_space<vmem>>) attributes {dimension_semantics = [#tpu.dimension_semantics<arbitrary>], iteration_bounds = array<i64: 5>, scalar_prefetch = 0 : i64, scratch_operands = 0 : i64, tpu.core_type = #tpu.core_type<tc>, window_params = [{transform_indices = @transform_0, window_bounds = array<i64: 2000, 256>}, {pipeline_mode = #tpu.pipeline_mode<synchronous>, transform_indices = @transform_1, window_bounds = array<i64: 256, 1>}, {transform_indices = @transform_2, window_bounds = array<i64: 2000, 1>}]} {
    %get3A = arith.constant 0 : index
    %get3A_0 = arith.constant 0 : index
    %get3A_1 = vector.load %arg1[%get3A, %get3A_0] : memref<2000x256xf32, #tpu.memory_space<vmem>>, vector<2000x256xf32>
    %get3A_2 = arith.constant 0 : index
    %get3A_3 = arith.constant 0 : index
    %get3A_4 = vector.load %arg2[%get3A_2, %get3A_3] : memref<256x1xf32, #tpu.memory_space<vmem>>, vector<256x1xf32>
    %dot_general3A = arith.constant dense<0.000000e+00> : vector<2000x1xf32>
    %dot_general3A_5 = tpu.matmul %get3A_1, %get3A_4, %dot_general3A {dimension_numbers = #tpu.dot_dimension_numbers<[1], [0], [0], [1], [0, 0, 1, 1], [], []>, transpose_lhs_hint = false} : vector<2000x256xf32>, vector<256x1xf32>, vector<2000x1xf32> -> vector<2000x1xf32>
    %swap3A = arith.constant 0 : index
    %swap3A_6 = arith.constant 0 : index
    %swap3A_7 = vector.load %arg3[%swap3A, %swap3A_6] : memref<2000x1xf32, #tpu.memory_space<vmem>>, vector<2000x1xf32>
    tpu.vector_store %arg3[%swap3A, %swap3A_6], %dot_general3A_5 {strides = array<i32>} : memref<2000x1xf32, #tpu.memory_space<vmem>>, vector<2000x1xf32>,
    return
  }
  func.func @transform_0(%arg0: i32) -> (i32, i32) {
    %c0_i32 = arith.constant 0 : i32
    %c0_i32_0 = arith.constant 0 : i32
    return %arg0, %c0_i32 : i32, i32
  }
  func.func @transform_1(%arg0: i32) -> (i32, i32) {
    %c0_i32 = arith.constant 0 : i32
    %c0_i32_0 = arith.constant 0 : i32
    %c0_i32_1 = arith.constant 0 : i32
    return %c0_i32, %c0_i32_0 : i32, i32
  }
  func.func @transform_2(%arg0: i32) -> (i32, i32) {
    %c0_i32 = arith.constant 0 : i32
    %c0_i32_0 = arith.constant 0 : i32
    return %arg0, %c0_i32 : i32, i32
  }
}

module attributes {stable_mosaic.version = 14 : i64} {
  func.func @body(%arg0: memref<32x10016xf32, #tpu.memory_space<vmem>>, %arg1: memref<1xf32, #tpu.memory_space<vmem>>, %arg2: memref<1x10016xf32, #tpu.memory_space<vmem>>) attributes {dimension_semantics = [], scalar_prefetch = 0 : i64, scratch_operands = 0 : i64, tpu.core_type = #tpu.core_type<tc>} {
    %get3A = arith.constant 0 : index
    %get3A_0 = arith.constant 0 : index
    %get3A_1 = vector.load %arg0[%get3A, %get3A_0] : memref<32x10016xf32, #tpu.memory_space<vmem>>, vector<32x10016xf32>
    %reduce_sum3A = arith.constant dense<0.000000e+00> : vector<10016xf32>
    %reduce_sum3A_2 = vector.multi_reduction <add>, %get3A_1, %reduce_sum3A [0] : vector<32x10016xf32> to vector<10016xf32>
    %broadcast_in_dim3A = vector.shape_cast %reduce_sum3A_2 : vector<10016xf32> to vector<1x10016xf32>
    %get3A_3 = arith.constant 0 : index
    %get3A_4 = vector.load %arg1[%get3A_3] : memref<1xf32, #tpu.memory_space<vmem>>, vector<1xf32>
    %get3A_5 = vector.extract %get3A_4[0] : f32 from vector<1xf32>
    %add3A = vector.broadcast %get3A_5 : f32 to vector<1x10016xf32>
    %add3A_6 = arith.addf %broadcast_in_dim3A, %add3A : vector<1x10016xf32>
    %swap3A = arith.constant 0 : index
    %swap3A_7 = arith.constant 0 : index
    %swap3A_8 = vector.load %arg2[%swap3A, %swap3A_7] : memref<1x10016xf32, #tpu.memory_space<vmem>>, vector<1x10016xf32>
    tpu.vector_store %arg2[%swap3A, %swap3A_7], %add3A_6 {strides = array<i32>} : memref<1x10016xf32, #tpu.memory_space<vmem>>, vector<1x10016xf32>,
    return
  }
}

module attributes {stable_mosaic.version = 14 : i64} {
  func.func @body(%arg0: memref<32x10016xf32, #tpu.memory_space<vmem>>, %arg1: memref<1xf32, #tpu.memory_space<vmem>>, %arg2: memref<1x10016xf32, #tpu.memory_space<vmem>>) attributes {dimension_semantics = [], scalar_prefetch = 0 : i64, scratch_operands = 0 : i64, tpu.core_type = #tpu.core_type<tc>} {
    %get3A = arith.constant 0 : index
    %get3A_0 = arith.constant 0 : index
    %get3A_1 = vector.load %arg0[%get3A, %get3A_0] : memref<32x10016xf32, #tpu.memory_space<vmem>>, vector<32x10016xf32>
    %reduce_sum3A = arith.constant dense<0.000000e+00> : vector<10016xf32>
    %reduce_sum3A_2 = vector.multi_reduction <add>, %get3A_1, %reduce_sum3A [0] : vector<32x10016xf32> to vector<10016xf32>
    %broadcast_in_dim3A = vector.shape_cast %reduce_sum3A_2 : vector<10016xf32> to vector<1x10016xf32>
    %get3A_3 = arith.constant 0 : index
    %get3A_4 = vector.load %arg1[%get3A_3] : memref<1xf32, #tpu.memory_space<vmem>>, vector<1xf32>
    %get3A_5 = vector.extract %get3A_4[0] : f32 from vector<1xf32>
    %add3A = vector.broadcast %get3A_5 : f32 to vector<1x10016xf32>
    %add3A_6 = arith.addf %broadcast_in_dim3A, %add3A : vector<1x10016xf32>
    %swap3A = arith.constant 0 : index
    %swap3A_7 = arith.constant 0 : index
    %swap3A_8 = vector.load %arg2[%swap3A, %swap3A_7] : memref<1x10016xf32, #tpu.memory_space<vmem>>, vector<1x10016xf32>
    tpu.vector_store %arg2[%swap3A, %swap3A_7], %add3A_6 {strides = array<i32>} : memref<1x10016xf32, #tpu.memory_space<vmem>>, vector<1x10016xf32>,
    return
  }
}

</mosaic_0001>

<sc_bundles>
// kernel: kernel.10.cloned.1.call-start
scs
__scs_entry_jumppad:
0x0: {  	(pc) =	sbr.rel $0x88, $3  }
0x1: {  	(tag) =	ssettag $0x0;
	lr =	simm.s32 $0x1  }
0x2: {  	[smem:$0x3F9D] =	sst lr;
	_ =	strace $0xD0000000  }
0x3: {  	_ = 	snop  }
0x4: {  	_ = 	snop  }
0x5: {  	_ = 	snop  }
0x6: {  	_ = 	snop  }
0x7: {  	_ = 	snop  }
__scs_overlays_trampoline_lowered:
0x8: {  	[smem:$0x3FAC] =	sst s0  }
0x9: {  	[smem:$0x3FAD] =	sst s1  }
0xa: {  	[smem:$0x3FAE] =	sst s2  }
0xb: {  	[smem:$0x3FAF] =	sst s3  }
0xc: {  	[smem:$0x3FB0] =	sst s4  }
0xd: {  	[smem:$0x3FB1] =	sst s5  }
0xe: {  	[smem:$0x3FB2] =	sst s6  }
0xf: {  	[smem:$0x3FB3] =	sst s7  }
0x10: {  	[smem:$0x3FB4] =	sst s8  }
0x11: {  	[smem:$0x3FB5] =	sst s9;
	s0 =	simm.s32 @!p0 $0x0  }
0x12: {  	s1 =	sld [smem:$0x3F9B];
	s0 =	simm.s32 @p0 $0x1  }
0x13: {  	[smem:$0x3FB6] =	sst s0;
	s0 =	simm.s32 @!p1 $0x0  }
0x14: {  	s2 =	sld [smem:$0x3F9A];
	s0 =	simm.s32 @p1 $0x1  }
0x15: {  	[smem:$0x3FB7] =	sst s0;
	s0 =	simm.s32 @!p2 $0x0  }
0x16: {  	s3 =	sld [smem:$0x3FDB];
	s0 =	simm.s32 @p2 $0x1  }
0x17: {  	s4 =	simm.s32 $0x1BF5;
	[smem:$0x3FB9] =	sst s0  }
0x18: {  	s0 =	sld [smem:$0x3F9C];
	_ =	swait.ge [sflag:s4], $0x0  }
0x19: {  	s7 =	sld [smem:$0x3F9D]  }
0x1a: {  	s8 =	sadd.s32 $0xFFFFE003, lr  }
0x1b: {  	s9 =	sadd.s32 $0xFFFFFEF7, lr;
	s5 =	simm.s32 $0xFFFFFFFF;
	p2 =	slt.u32 s8, $0xFFFFF086  }
0x1c: {  	p1 =	slt.u32 s9, $0xF7A;
	s5 =	simm.s32 @!p2 $0x0  }
0x1d: {  	s5 =	simm.s32 @p1 $0x1;
	p0 =	seq.s32 s7, s2  }
0x1e: {  	s7 =	smul.u32 @!p0 $0xF7A, s2;
	p2 =	seq.s32 @!p0 s5, $0x0  }
0x1f: {  	s9 =	smul.u32 $0xF7A, s1;
	s8 =	simm.s32 @!p0 $0x1BF5;
	p2 =	por !p2, p0  }
0x20: {  	[sflag:s8] =	ssyncset.s32 @!p0 $0xFFFFF086;
	s6 =	sadd.s32 @!p0 s3, s7;
	s7 =	simm.s32 @!p0 $0x108  }
0x21: {  	s3 =	sadd.s32 s3, s9;
	s6 =	sadd.s32 @!p0 $0x88, s6;
	s7 =	simm.s32 @p2 $0x1082  }
0x22: {  	[simem:s7], [sflag:s8] =	dma.local @!p0 [hbm:s6], $0xF7A  }
0x23: {  	s9 =	sor.u32 $0xD0000000, s2;
	s6 =	simm.s32 $0x108;
	_ =	swait.ge @!p0 [sflag:s8], $0x0  }
0x24: {  	s3 =	sadd.s32 $0x88, s3;
	s6 =	simm.s32 @!p1 $0x1082;
	[sflag:s4] =	ssyncset.s32 $0xFFFFF086  }
0x25: {  	[simem:s6], [sflag:s4] =	dma.local [hbm:s3], $0xF7A  }
0x26: {  	[smem:$0x3F9D] =	sst s1;
	(tag) =	ssettag s2;
	_ =	strace s9  }
0x27: {  	s1 =	sld [smem:$0x3FAD]  }
0x28: {  	s2 =	sld [smem:$0x3FAE]  }
0x29: {  	s4 =	sld [smem:$0x3FB0]  }
0x2a: {  	p0 =	seq.s32 s5, $0x0;
	s5 =	sld [smem:$0x3FB1]  }
0x2b: {  	s6 =	sld [smem:$0x3FB2]  }
0x2c: {  	s7 =	sld [smem:$0x3FB3]  }
0x2d: {  	s3 =	simm.s32 $0x108;
	s8 =	sld [smem:$0x3FB4]  }
0x2e: {  	s3 =	simm.s32 @!p0 $0x1082;
	s9 =	sld [smem:$0x3FB5]  }
0x2f: {  	lr =	sadd.s32 s0, s3;
	s0 =	sld [smem:$0x3FAC]  }
0x30: {  	s3 =	sld [smem:$0x3FAF]  }
0x31: {  	[smem:$0x3FB8] =	sst s10  }
0x32: {  	s10 =	sld [smem:$0x3FB6];
	_ =	sdelay $0x3  }
0x33: {  	p0 =	seq.s32 s10, $0x1;
	s10 =	sld [smem:$0x3FB8];
	_ =	sdelay $0x3  }
0x34: {  	[smem:$0x3FB8] =	sst s10  }
0x35: {  	s10 =	sld [smem:$0x3FB7];
	_ =	sdelay $0x3  }
0x36: {  	p1 =	seq.s32 s10, $0x1;
	s10 =	sld [smem:$0x3FB8];
	_ =	sdelay $0x3  }
0x37: {  	[smem:$0x3FB8] =	sst s10  }
0x38: {  	s10 =	sld [smem:$0x3FB9]  }
0x39: {  	_ = 	snop;
	(pc) =	sbr.ind lr, $3  }
0x3a: {  	_ = 	snop  }
0x3b: {  	_ = 	snop  }
0x3c: {  	p2 =	seq.s32 s10, $0x1;
	s10 =	sld [smem:$0x3FB8]  }
0x3d: {  	_ =	shalt  }
0x3e: {  	_ =	shalt  }
0x3f: {  	_ =	shalt  }
0x40: {  	_ =	shalt  }
0x41: {  	_ =	shalt  }
0x42: {  	_ =	shalt  }
0x43: {  	_ =	shalt  }
0x44: {  	_ =	shalt  }
0x45: {  	_ =	shalt  }
0x46: {  	_ =	shalt  }
0x47: {  	_ =	shalt  }
0x48: {  	_ =	shalt  }
0x49: {  	_ =	shalt  }
0x4a: {  	_ =	shalt  }
0x4b: {  	_ =	shalt  }
0x4c: {  	_ =	shalt  }
0x4d: {  	_ =	shalt  }
0x4e: {  	_ =	shalt  }
0x4f: {  	_ =	shalt  }
0x50: {  	_ =	shalt  }
0x51: {  	_ =	shalt  }
0x52: {  	_ =	shalt  }
0x53: {  	_ =	shalt  }
0x54: {  	_ =	shalt  }
0x55: {  	_ =	shalt  }
0x56: {  	_ =	shalt  }
0x57: {  	_ =	shalt  }
0x58: {  	_ =	shalt  }
0x59: {  	_ =	shalt  }
0x5a: {  	_ =	shalt  }
0x5b: {  	_ =	shalt  }
0x5c: {  	_ =	shalt  }
0x5d: {  	_ =	shalt  }
0x5e: {  	_ =	shalt  }
0x5f: {  	_ =	shalt  }
0x60: {  	_ =	shalt  }
0x61: {  	_ =	shalt  }
0x62: {  	_ =	shalt  }
0x63: {  	_ =	shalt  }
0x64: {  	_ =	shalt  }
0x65: {  	_ =	shalt  }
0x66: {  	_ =	shalt  }
0x67: {  	_ =	shalt  }
0x68: {  	_ =	shalt  }
0x69: {  	_ =	shalt  }
0x6a: {  	_ =	shalt  }
0x6b: {  	_ =	shalt  }
0x6c: {  	_ =	shalt  }
0x6d: {  	_ =	shalt  }
0x6e: {  	_ =	shalt  }
0x6f: {  	_ =	shalt  }
0x70: {  	_ =	shalt  }
0x71: {  	_ =	shalt  }
0x72: {  	_ =	shalt  }
0x73: {  	_ =	shalt  }
0x74: {  	_ =	shalt  }
0x75: {  	_ =	shalt  }
0x76: {  	_ =	shalt  }
0x77: {  	_ =	shalt  }
0x78: {  	_ =	shalt  }
0x79: {  	_ =	shalt  }
0x7a: {  	_ =	shalt  }
0x7b: {  	_ =	shalt  }
0x7c: {  	_ =	shalt  }
0x7d: {  	_ =	shalt  }
0x7e: {  	_ =	shalt  }
0x7f: {  	_ =	shalt  }
0x80: {  	_ =	shalt  }
0x81: {  	_ =	shalt  }
0x82: {  	_ =	shalt  }
0x83: {  	_ =	shalt  }
0x84: {  	_ =	shalt  }
0x85: {  	_ =	shalt  }
0x86: {  	_ =	shalt  }
0x87: {  	_ =	shalt  }
.Lfunc_end0:
.L_simem_size_0:
called_computation.1_lowered:
.L_overlay_start_0:
0x88: {  	s2 =	sld [smem:$0x3FD9]  }
0x89: {  	s3 =	sld [smem:$0x3FFE];
	_ =	sdelay $0x1  }
0x8a: {  	s1 =	srdreg.scid  }
0x8b: {  	s0 =	sand.u32 $0x1, s1  }
0x8c: {  	s16 =	sshll.u32 s0, $0xA;
	s2 =	sadd.s32 s3, s2  }
0x8d: {  	s2 =	sadd.s32 s2, s16  }
0x8e: {  	[smem:$0x3FC4] =	sst s2  }
0x8f: {  	_ = 	snop  }
0x90: {  	(tm) =	ssettm $0x1  }
0x91: {  	s17 =	sld [smem:$0x3FFB];
	_ =	sdelay $0x3  }
0x92: {  	_ =	strace s17  }
0x93: {  	s2 =	sld [smem:$0x3FFC];
	_ =	sdelay $0x3  }
0x94: {  	_ =	strace s2  }
0x95: {  	s2 =	sld [smem:$0x3FFD];
	_ =	sdelay $0x3  }
0x96: {  	_ =	strace s2  }
0x97: {  	_ =	strace $0x8FFFFFFF  }
0x98: {  	s18 =	sld [smem:$0x3FDB];
	_ =	sdelay $0x1  }
0x99: {  	s19 =	simm.s32 $_scs_section_size  }
0x9a: {  	s4 =	simm.s32 $_size__tile_overlayer_lowered;
	s5 =	simm.s32 $_tile_overlayer_lowered  }
0x9b: {  	s22 =	simm.s32 $0x1BFF;
	s21 =	sshll.u32 s5, $0x1;
	s2 =	sadd.s32 s19, s18  }
0x9c: {  	s6 =	simm.s32 $0x0;
	s20 =	sshll.u32 s4, $0x1;
	s4 =	sadd.s32 s21, s2  }
0x9d: {  	[timem:s6], [sflag:s22] =	dma.local [hbm:s4], s20  }
0x9e: {  	_ =	swait.ge [sflag:s22], s20  }
0x9f: {  	s3 =	ssub.s32 $0x0, s20;
	[sflag:s22] =	ssyncset.done $0x0  }
0xa0: {  	[sflag:s22] =	ssyncadd.s32 s3;
	_ =	sdelay $0x1  }
0xa1: {  	s23 =	simm.s32 $0x1B8B  }
0xa2: {  	_ =	swait.ge [sflag:s23], $0x1  }
0xa3: {  	[sflag:s23] =	ssyncset.done $0x0  }
0xa4: {  	s25 =	simm.s32 $0x1B8E;
	s24 =	sld [smem:$0x3FFE];
	[sflag:s23] =	ssyncadd.s32 $0xFFFFFFFF  }
0xa5: {  	s26 =	simm.s32 $execute0_lowered;
	[smem:$0x3FD2] =	sst s25  }
0xa6: {  	s4 =	sshll.u32 s26, $0x1;
	_ =	strace $0x80000049;
	[dreg:$0x1] =	wrdreg $0xFFFFFFFF  }
0xa7: {  	s28 =	simm.s32 $_size_execute0_lowered;
	s2 =	sadd.s32 s2, s4;
	[dreg:$0x0] =	wrdreg $0x0  }
0xa8: {  	s4 =	sshll.u32 s28, $0x1;
	[dreg:$0x2] =	wrdreg s2  }
0xa9: {  	[dreg:$0x3] =	wrdreg s4  }
0xaa: {  	[dreg:$0x4] =	wrdreg $0xC0  }
0xab: {  	_ =	task [dreg:s6], $0x5FFFF  }
0xac: {  	[dreg:$0x1] =	wrdreg $0xFFFFFFFF  }
0xad: {  	[dreg:$0x0] =	wrdreg $0x60  }
0xae: {  	[dreg:$0x2] =	wrdreg s24  }
0xaf: {  	[dreg:$0x3] =	wrdreg $0x9  }
0xb0: {  	_ =	task.clear_ibuf [dreg:s6], $0x4FFFF;
	_ =	strace $0x90000049  }
0xb1: {  	s29 =	simm.s32 $0x9;
	_ =	strace $0x8000004B  }
0xb2: {  	_ =	swait.ge [sflag:s29], $0x1  }
0xb3: {  	[sflag:s29] =	ssyncadd.s32 $0xFFFFFFFF  }
0xb4: {  	_ =	strace $0x9000004B  }
0xb5: {  	_ =	sfence  }
0xb6: {  	s30 =	sld [smem:$0x0];
	_ =	sdelay $0x2  }
0xb7: {  	s31 =	sshll.u32 s1, $0xD;
	s1 =	sshrl.u32 s1, $0x2  }
0xb8: {  	s3 =	sand.u32 $0x4000, s31;
	s1 =	sadd.s32 s1, s30  }
0xb9: {  	s0 =	sor.u32 s3, s0;
	s1 =	sshll.u32 s1, $0x11  }
0xba: {  	s0 =	sor.u32 s1, s0  }
0xbb: {  	s0 =	sadd.s32 $0x8F2B, s0  }
0xbc: {  	[sflag:s0] =	ssyncadd.remote.s32 $0x1  }
0xbd: {  	_ =	sfence.sel $0xFFFF  }
0xbe: {  	[dreg:$0x0] =	wrdreg $0xFFFFFFFF;
	(pc) =	sbr.abs _section_cstart, $3  }
0xbf: {  	[dreg:$0x1] =	wrdreg $0xFFFFFFFF  }
0xc0: {  	_ =	task.clear_ibuf [dreg:s6], $0x2FFFF;
	_ =	strace $0x9FFFFFFF  }
0xc1: {  	(tm) =	ssettm $0x7FFFFFFF  }
tec
execute0_lowered:
.L_overlay_start_1:
0x0: {  	(tag) =	ssettag $0x1  }
0x1: {  	s5 =	rddreg [dreg:$0x0]  }
0x2: {  	s2 =	srdreg.scid;
	s1 =	stileid.u32  }
0x3: {  	s0 =	rddreg [dreg:$0x1];
	s10 =	simm.s32 $0x2800;
	s11 =	simm.s32 $0x4F80  }
0x4: {  	s12 =	simm.s32 $0x80;
	s13 =	simm.s32 $0x400;
	s14 =	simm.s32 $0x0  }
0x5: {  	s4 =	sand.u32 $0x1, s2;
	s3 =	sshll.u32 s1, $0x1;
	s2 =	simm.s32 $0x0  }
0x6: {  	s6 =	sshrl.u32 s1, $0x2;
	s3 =	sor.u32 s4, s3;
	[smem:$0x7FF] =	sst s2  }
0x7: {  	s6 =	smul.u32 $0x13C00, s6;
	s31 =	ssub.s32 $0x2, s4;
	s7 =	sshll.u32 s3, $0x7  }
0x8: {  	_ =	strace $0x8000004A;
	s8 =	smul.u32 $0x272, s3;
	s7 =	sand.u32 $0x380, s7  }
0x9: {  	s3 =	sadd.s32 $0xA000, s5;
	s9 =	sshrl.u32 s31, $0x1;
	s6 =	sor.u32 s6, s7  }
0xa: {  	s4 =	sadd.s32 s5, s8;
	s7 =	ssub.s32 s31, s9;
	s6 =	sshrl.u32 s6, $0x3  }
0xb: {  	s8 =	simm.s32 $0x1;
	s9 =	simm.s32 $0x1400;
	s6 =	sadd.s32 s6, s5  }
0xc: {  	v0 =	vimm.f32 $0.0e+00;
	s7 =	smax.u32 s7, $0x1;
	s5 =	sadd.s32 $0x5000, s4;
	s6 =	sadd.s32 $0xA600, s6  }
.LBB2_1:
0xd: {  	[tilespmem:s2], [sflag:$0x1] =	stream.linear.gather [hbm4b:s4+s2], $0x1390, $0x38;
	[tilespmem:$0x7700] =	vst v63  }
0xe: {  	_ =	swait.ge [sflag:s8], $0x1390  }
0xf: {  	[sflag:s8] =	ssyncset.done $0x0  }
0x10: {  	[sflag:s8] =	ssyncadd.s32 $0xFFFFEC70  }
0x11: {  	[tilespmem:s9], [sflag:$0x1] =	stream.linear.gather [hbm4b:s5+s2], $0x1390, $0x38;
	[tilespmem:$0x7700] =	vst v63  }
0x12: {  	_ =	swait.ge [sflag:s8], $0x1390  }
0x13: {  	[sflag:s8] =	ssyncset.done $0x0  }
0x14: {  	[sflag:s8] =	ssyncadd.s32 $0xFFFFEC70  }
0x15: {  	[tilespmem:s10], [sflag:$0x1] =	stream.linear.gather [hbm4b:s3+s2], $0x2780, $0x38;
	[tilespmem:$0x7700] =	vst v63  }
0x16: {  	_ =	swait.ge [sflag:s8], $0x2780  }
0x17: {  	[sflag:s8] =	ssyncset.done $0x0  }
0x18: {  	s15 =	simm.s32 $0x4FC0;
	[sflag:s8] =	ssyncadd.s32 $0xFFFFD880  }
0x19: {  	[tilespmem:s15+$0xFFFFFFC0] =	vst v0  }
0x1a: {  	[tilespmem:s15+$0x30] =	vst v0  }
0x1b: {  	[tilespmem:s15+$0x20] =	vst v0  }
0x1c: {  	[tilespmem:s15+$0x10] =	vst v0  }
0x1d: {  	[tilespmem:s15+$0x0] =	vst v0  }
0x1e: {  	[tilespmem:s15+$0xFFFFFFF0] =	vst v0  }
0x1f: {  	s18 =	simm.s32 $0x0;
	s16 =	simm.s32 $0x7680;
	[tilespmem:s15+$0xFFFFFFE0] =	vst v0  }
.LBB2_2:
0x20: {  	s18 =	sadd.s32 $0x80, s18;
	[tilespmem:s15+$0xFFFFFFD0] =	vst v0;
	s15 =	sadd.s32 $0x80, s15;
	s17 =	simm.s32 $0x26F0  }
0x21: {  	[tilespmem:s15+$0xFFFFFFC0] =	vst v0;
	p0 =	slt.u32 s18, $0x2680  }
0x22: {  	[tilespmem:s15+$0x30] =	vst v0  }
.Ltmp0:
0x23: {  	[tilespmem:s15+$0x20] =	vst v0;
	(pc) =	sbr.rel @p0 .LBB2_2-.Ltmp0, $4  }
0x24: {  	[tilespmem:s15+$0x10] =	vst v0  }
0x25: {  	[tilespmem:s15+$0x0] =	vst v0  }
0x26: {  	[tilespmem:s15+$0xFFFFFFF0] =	vst v0  }
0x27: {  	[tilespmem:s15+$0xFFFFFFE0] =	vst v0  }
0x28: {  	[tilespmem:s15+$0xFFFFFFD0] =	vst v0  }
.LBB2_4:
0x29: {  	s17 =	sadd.s32 $0x10, s17  }
0x2a: {  	p0 =	slt.u32 s17, $0x2710  }
.Ltmp1:
0x2b: {  	_ = 	snop;
	(pc) =	sbr.rel @p0 .LBB2_4-.Ltmp1, $2  }
0x2c: {  	_ =	sdelay $0x2  }
0x2d: {  	[tilespmem:s16+$0x0] =	vst v0;
	s16 =	sadd.s32 $0x10, s16;
	s18 =	simm.s32 $0x40;
	s15 =	simm.s32 $0x1440  }
0x2e: {  	v1 =	vld [tilespmem:s18+$0x30]  }
0x2f: {  	v2 =	vld [tilespmem:s18+$0xFFFFFFD0]  }
0x30: {  	v3 =	vld [tilespmem:s18+$0xFFFFFFE0]  }
0x31: {  	v4 =	vld [tilespmem:s18+$0xFFFFFFF0]  }
0x32: {  	v5 =	vld [tilespmem:s18+$0x0]  }
0x33: {  	v6 =	vld [tilespmem:s18+$0x10]  }
0x34: {  	v7 =	vld [tilespmem:s15+$0x30]  }
0x35: {  	v8 =	vld [tilespmem:s18+$0x20]  }
0x36: {  	v9 =	vld [tilespmem:s18+$0xFFFFFFC0]  }
0x37: {  	v63 =	vld [tilespmem:s15+$0xFFFFFFC0]  }
0x38: {  	v11 =	vld [tilespmem:s15+$0xFFFFFFD0]  }
0x39: {  	v12 =	vld [tilespmem:s15+$0xFFFFFFE0]  }
0x3a: {  	v13 =	vld [tilespmem:s15+$0xFFFFFFF0]  }
0x3b: {  	v14 =	vld [tilespmem:s15+$0x0]  }
0x3c: {  	v15 =	vld [tilespmem:s15+$0x10]  }
0x3d: {  	v1 =	vld.idx.msk [tilespmem:v1+s10+$0x0], $0xffff  }
0x3e: {  	v10 =	vld.idx.msk [tilespmem:v2+s10+$0x0], $0xffff  }
0x3f: {  	v3 =	vld.idx.msk [tilespmem:v3+s10+$0x0], $0xffff  }
0x40: {  	v4 =	vld.idx.msk [tilespmem:v4+s10+$0x0], $0xffff  }
0x41: {  	v5 =	vld.idx.msk [tilespmem:v5+s10+$0x0], $0xffff  }
0x42: {  	v62 =	vld.idx.msk [tilespmem:v9+s10+$0x0], $0xffff  }
0x43: {  	v6 =	vld.idx.msk [tilespmem:v6+s10+$0x0], $0xffff  }
0x44: {  	v2 =	vld [tilespmem:s15+$0x20]  }
0x45: {  	[tilespmem:v7+s11+$0x0] =	vst.idx.add.f32.msk $0xffff, v1  }
0x46: {  	v1 =	vld.idx.msk [tilespmem:v8+s10+$0x0], $0xffff  }
0x47: {  	[tilespmem:v63+s11+$0x0] =	vst.idx.add.f32.msk $0xffff, v62  }
0x48: {  	[tilespmem:v11+s11+$0x0] =	vst.idx.add.f32.msk $0xffff, v10  }
0x49: {  	[tilespmem:v12+s11+$0x0] =	vst.idx.add.f32.msk $0xffff, v3  }
0x4a: {  	[tilespmem:v13+s11+$0x0] =	vst.idx.add.f32.msk $0xffff, v4  }
0x4b: {  	[tilespmem:v14+s11+$0x0] =	vst.idx.add.f32.msk $0xffff, v5  }
0x4c: {  	s16 =	simm.s32 $0x0;
	s17 =	simm.s32 $0xC0;
	[tilespmem:v15+s11+$0x0] =	vst.idx.add.f32.msk $0xffff, v6  }
.LBB2_6:
0x4d: {  	v3 =	vld [tilespmem:s17+$0x30];
	s16 =	sadd.s32 $0x80, s16  }
0x4e: {  	v4 =	vld [tilespmem:s17+$0xFFFFFFD0];
	p0 =	slt.u32 s16, $0x1300  }
0x4f: {  	v5 =	vld [tilespmem:s17+$0xFFFFFFE0]  }
0x50: {  	v6 =	vld [tilespmem:s17+$0xFFFFFFF0]  }
0x51: {  	v7 =	vld [tilespmem:s17+$0x0]  }
0x52: {  	s15 =	sadd.s32 $0x80, s15;
	v8 =	vld [tilespmem:s17+$0x10]  }
0x53: {  	v9 =	vld [tilespmem:s15+$0x30]  }
0x54: {  	v10 =	vld [tilespmem:s17+$0x20]  }
0x55: {  	v3 =	vld.idx.msk [tilespmem:v3+s10+$0x0], $0xffff  }
0x56: {  	v11 =	vld [tilespmem:s17+$0xFFFFFFC0]  }
0x57: {  	v4 =	vld.idx.msk [tilespmem:v4+s10+$0x0], $0xffff  }
0x58: {  	v5 =	vld.idx.msk [tilespmem:v5+s10+$0x0], $0xffff  }
0x59: {  	v6 =	vld.idx.msk [tilespmem:v6+s10+$0x0], $0xffff  }
0x5a: {  	v7 =	vld.idx.msk [tilespmem:v7+s10+$0x0], $0xffff  }
0x5b: {  	[tilespmem:v9+s11+$0x0] =	vst.idx.add.f32.msk $0xffff, v3  }
0x5c: {  	v3 =	vld.idx.msk [tilespmem:v8+s10+$0x0], $0xffff  }
0x5d: {  	v8 =	vld.idx.msk [tilespmem:v10+s10+$0x0], $0xffff  }
0x5e: {  	v9 =	vld.idx.msk [tilespmem:v11+s10+$0x0], $0xffff  }
0x5f: {  	v10 =	vld [tilespmem:s15+$0xFFFFFFC0]  }
0x60: {  	v11 =	vld [tilespmem:s15+$0xFFFFFFD0]  }
0x61: {  	v12 =	vld [tilespmem:s15+$0xFFFFFFE0]  }
0x62: {  	v13 =	vld [tilespmem:s15+$0xFFFFFFF0]  }
0x63: {  	v14 =	vld [tilespmem:s15+$0x0]  }
0x64: {  	v15 =	vld [tilespmem:s15+$0x10]  }
0x65: {  	v16 =	vld [tilespmem:s15+$0x20]  }
0x66: {  	[tilespmem:v2+s11+$0x0] =	vst.idx.add.f32.msk $0xffff, v1;
	v1 =	vmov v8  }
0x67: {  	[tilespmem:v10+s11+$0x0] =	vst.idx.add.f32.msk $0xffff, v9  }
.Ltmp2:
0x68: {  	[tilespmem:v11+s11+$0x0] =	vst.idx.add.f32.msk $0xffff, v4;
	(pc) =	sbr.rel @p0 .LBB2_6-.Ltmp2, $4  }
0x69: {  	[tilespmem:v12+s11+$0x0] =	vst.idx.add.f32.msk $0xffff, v5  }
0x6a: {  	[tilespmem:v13+s11+$0x0] =	vst.idx.add.f32.msk $0xffff, v6;
	v2 =	vmov v16  }
0x6b: {  	[tilespmem:v14+s11+$0x0] =	vst.idx.add.f32.msk $0xffff, v7  }
0x6c: {  	s17 =	sadd.s32 $0x80, s17;
	[tilespmem:v15+s11+$0x0] =	vst.idx.add.f32.msk $0xffff, v3  }
0x6d: {  	_ =	sdelay $0x3  }
0x6e: {  	[tilespmem:v2+s11+$0x0] =	vst.idx.add.f32.msk $0xffff, v1  }
0x6f: {  	v1 =	vld [tilespmem:$0x1380];
	_ =	sdelay $0x4  }
0x70: {  	v2 =	vld [tilespmem:$0x2780];
	_ =	sdelay $0x2  }
0x71: {  	v1 =	vld.idx.msk [tilespmem:v1+s10+$0x0], $0xffff;
	_ =	sdelay $0x2  }
0x72: {  	s14 =	sadd.s32 $0x1, s14  }
0x73: {  	p0 =	sne.s32 s14, s7  }
.Ltmp3:
0x74: {  	[tilespmem:v2+s11+$0x0] =	vst.idx.add.f32.msk $0xffff, v1;
	(pc) =	sbr.rel @p0 .LBB2_1-.Ltmp3, $4  }
0x75: {  	[hbm4b:s6+s12] =	stream.strided.scatter [tilespmem:s11], [sflag:$0x1], $0x2780, s13, s12, $0x38;
	[tilespmem:$0x7700] =	vst v63  }
0x76: {  	_ =	swait.ge [sflag:s8], $0x2780  }
0x77: {  	[sflag:s8] =	ssyncset.done $0x0  }
0x78: {  	[sflag:s8] =	ssyncadd.s32 $0xFFFFD880  }
0x79: {  	_ =	sfence.sel $0x180000  }
0x7a: {  	[bflag:$0x0] =	sbarrier.arrive $0xFFFF  }
0x7b: {  	p0 =	sne.s32 s1, $0x0;
	_ =	strace $0x9000004A  }
0x7c: {  	s0 =	sadd.s32 @!p0 $0x100000, s0;
	[bflag:$0x2] =	sbarrier.arrive $0xFFFF  }
0x7d: {  	[sflag:s0] =	ssyncadd.tile.s32 @!p0 $0x1;
	_ =	shalt  }
.Lfunc_end2:
_tile_overlayer_lowered:
.L_overlay_start_2:
0x7e: {  	(tag) =	ssettag $0x2  }
0x7f: {  	s0 =	rddreg [dreg:$0x0];
	s2 =	stileid.u32  }
0x80: {  	s1 =	rddreg [dreg:$0x1];
	p0 =	sne.s32 s2, $0x0  }
0x81: {  	s3 =	rddreg [dreg:$0x2];
	[bflag:$0x3] =	sbarrier.arrive $0xFFFF;
	s2 =	simm.s32 @!p0 $0x1C01  }
0x82: {  	[timem:s3], [sflag:s2] =	dma.local @!p0 [hbm:s0], s1  }
0x83: {  	s0 =	simm.s32 @!p0 $0x1  }
0x84: {  	_ =	swait.ge @!p0 [sflag:s0], s1  }
0x85: {  	s1 =	ssub.s32 @!p0 $0x0, s1;
	[sflag:s0] =	ssyncset.done @!p0 $0x0  }
0x86: {  	[sflag:s0] =	ssyncadd.s32 @!p0 s1  }
0x87: {  	[bflag:$0x3] =	sbarrier.arrive $0xFFFF  }
0x88: {  	_ =	shalt  }

// kernel: kernel.7.cloned.1.call-start
scs
__scs_entry_jumppad:
0x0: {  	(pc) =	sbr.rel $0x88, $3  }
0x1: {  	(tag) =	ssettag $0x0;
	lr =	simm.s32 $0x1  }
0x2: {  	[smem:$0x3F9D] =	sst lr;
	_ =	strace $0xD0000000  }
0x3: {  	_ = 	snop  }
0x4: {  	_ = 	snop  }
0x5: {  	_ = 	snop  }
0x6: {  	_ = 	snop  }
0x7: {  	_ = 	snop  }
__scs_overlays_trampoline_lowered:
0x8: {  	[smem:$0x3FAC] =	sst s0  }
0x9: {  	[smem:$0x3FAD] =	sst s1  }
0xa: {  	[smem:$0x3FAE] =	sst s2  }
0xb: {  	[smem:$0x3FAF] =	sst s3  }
0xc: {  	[smem:$0x3FB0] =	sst s4  }
0xd: {  	[smem:$0x3FB1] =	sst s5  }
0xe: {  	[smem:$0x3FB2] =	sst s6  }
0xf: {  	[smem:$0x3FB3] =	sst s7  }
0x10: {  	[smem:$0x3FB4] =	sst s8  }
0x11: {  	[smem:$0x3FB5] =	sst s9;
	s0 =	simm.s32 @!p0 $0x0  }
0x12: {  	s1 =	sld [smem:$0x3F9B];
	s0 =	simm.s32 @p0 $0x1  }
0x13: {  	[smem:$0x3FB6] =	sst s0;
	s0 =	simm.s32 @!p1 $0x0  }
0x14: {  	s2 =	sld [smem:$0x3F9A];
	s0 =	simm.s32 @p1 $0x1  }
0x15: {  	[smem:$0x3FB7] =	sst s0;
	s0 =	simm.s32 @!p2 $0x0  }
0x16: {  	s3 =	sld [smem:$0x3FDB];
	s0 =	simm.s32 @p2 $0x1  }
0x17: {  	s4 =	simm.s32 $0x1BF5;
	[smem:$0x3FB9] =	sst s0  }
0x18: {  	s0 =	sld [smem:$0x3F9C];
	_ =	swait.ge [sflag:s4], $0x0  }
0x19: {  	s7 =	sld [smem:$0x3F9D]  }
0x1a: {  	s8 =	sadd.s32 $0xFFFFE003, lr  }
0x1b: {  	s9 =	sadd.s32 $0xFFFFFEF7, lr;
	s5 =	simm.s32 $0xFFFFFFFF;
	p2 =	slt.u32 s8, $0xFFFFF086  }
0x1c: {  	p1 =	slt.u32 s9, $0xF7A;
	s5 =	simm.s32 @!p2 $0x0  }
0x1d: {  	s5 =	simm.s32 @p1 $0x1;
	p0 =	seq.s32 s7, s2  }
0x1e: {  	s7 =	smul.u32 @!p0 $0xF7A, s2;
	p2 =	seq.s32 @!p0 s5, $0x0  }
0x1f: {  	s9 =	smul.u32 $0xF7A, s1;
	s8 =	simm.s32 @!p0 $0x1BF5;
	p2 =	por !p2, p0  }
0x20: {  	[sflag:s8] =	ssyncset.s32 @!p0 $0xFFFFF086;
	s6 =	sadd.s32 @!p0 s3, s7;
	s7 =	simm.s32 @!p0 $0x108  }
0x21: {  	s3 =	sadd.s32 s3, s9;
	s6 =	sadd.s32 @!p0 $0x88, s6;
	s7 =	simm.s32 @p2 $0x1082  }
0x22: {  	[simem:s7], [sflag:s8] =	dma.local @!p0 [hbm:s6], $0xF7A  }
0x23: {  	s9 =	sor.u32 $0xD0000000, s2;
	s6 =	simm.s32 $0x108;
	_ =	swait.ge @!p0 [sflag:s8], $0x0  }
0x24: {  	s3 =	sadd.s32 $0x88, s3;
	s6 =	simm.s32 @!p1 $0x1082;
	[sflag:s4] =	ssyncset.s32 $0xFFFFF086  }
0x25: {  	[simem:s6], [sflag:s4] =	dma.local [hbm:s3], $0xF7A  }
0x26: {  	[smem:$0x3F9D] =	sst s1;
	(tag) =	ssettag s2;
	_ =	strace s9  }
0x27: {  	s1 =	sld [smem:$0x3FAD]  }
0x28: {  	s2 =	sld [smem:$0x3FAE]  }
0x29: {  	s4 =	sld [smem:$0x3FB0]  }
0x2a: {  	p0 =	seq.s32 s5, $0x0;
	s5 =	sld [smem:$0x3FB1]  }
0x2b: {  	s6 =	sld [smem:$0x3FB2]  }
0x2c: {  	s7 =	sld [smem:$0x3FB3]  }
0x2d: {  	s3 =	simm.s32 $0x108;
	s8 =	sld [smem:$0x3FB4]  }
0x2e: {  	s3 =	simm.s32 @!p0 $0x1082;
	s9 =	sld [smem:$0x3FB5]  }
0x2f: {  	lr =	sadd.s32 s0, s3;
	s0 =	sld [smem:$0x3FAC]  }
0x30: {  	s3 =	sld [smem:$0x3FAF]  }
0x31: {  	[smem:$0x3FB8] =	sst s10  }
0x32: {  	s10 =	sld [smem:$0x3FB6];
	_ =	sdelay $0x3  }
0x33: {  	p0 =	seq.s32 s10, $0x1;
	s10 =	sld [smem:$0x3FB8];
	_ =	sdelay $0x3  }
0x34: {  	[smem:$0x3FB8] =	sst s10  }
0x35: {  	s10 =	sld [smem:$0x3FB7];
	_ =	sdelay $0x3  }
0x36: {  	p1 =	seq.s32 s10, $0x1;
	s10 =	sld [smem:$0x3FB8];
	_ =	sdelay $0x3  }
0x37: {  	[smem:$0x3FB8] =	sst s10  }
0x38: {  	s10 =	sld [smem:$0x3FB9]  }
0x39: {  	_ = 	snop;
	(pc) =	sbr.ind lr, $3  }
0x3a: {  	_ = 	snop  }
0x3b: {  	_ = 	snop  }
0x3c: {  	p2 =	seq.s32 s10, $0x1;
	s10 =	sld [smem:$0x3FB8]  }
0x3d: {  	_ =	shalt  }
0x3e: {  	_ =	shalt  }
0x3f: {  	_ =	shalt  }
0x40: {  	_ =	shalt  }
0x41: {  	_ =	shalt  }
0x42: {  	_ =	shalt  }
0x43: {  	_ =	shalt  }
0x44: {  	_ =	shalt  }
0x45: {  	_ =	shalt  }
0x46: {  	_ =	shalt  }
0x47: {  	_ =	shalt  }
0x48: {  	_ =	shalt  }
0x49: {  	_ =	shalt  }
0x4a: {  	_ =	shalt  }
0x4b: {  	_ =	shalt  }
0x4c: {  	_ =	shalt  }
0x4d: {  	_ =	shalt  }
0x4e: {  	_ =	shalt  }
0x4f: {  	_ =	shalt  }
0x50: {  	_ =	shalt  }
0x51: {  	_ =	shalt  }
0x52: {  	_ =	shalt  }
0x53: {  	_ =	shalt  }
0x54: {  	_ =	shalt  }
0x55: {  	_ =	shalt  }
0x56: {  	_ =	shalt  }
0x57: {  	_ =	shalt  }
0x58: {  	_ =	shalt  }
0x59: {  	_ =	shalt  }
0x5a: {  	_ =	shalt  }
0x5b: {  	_ =	shalt  }
0x5c: {  	_ =	shalt  }
0x5d: {  	_ =	shalt  }
0x5e: {  	_ =	shalt  }
0x5f: {  	_ =	shalt  }
0x60: {  	_ =	shalt  }
0x61: {  	_ =	shalt  }
0x62: {  	_ =	shalt  }
0x63: {  	_ =	shalt  }
0x64: {  	_ =	shalt  }
0x65: {  	_ =	shalt  }
0x66: {  	_ =	shalt  }
0x67: {  	_ =	shalt  }
0x68: {  	_ =	shalt  }
0x69: {  	_ =	shalt  }
0x6a: {  	_ =	shalt  }
0x6b: {  	_ =	shalt  }
0x6c: {  	_ =	shalt  }
0x6d: {  	_ =	shalt  }
0x6e: {  	_ =	shalt  }
0x6f: {  	_ =	shalt  }
0x70: {  	_ =	shalt  }
0x71: {  	_ =	shalt  }
0x72: {  	_ =	shalt  }
0x73: {  	_ =	shalt  }
0x74: {  	_ =	shalt  }
0x75: {  	_ =	shalt  }
0x76: {  	_ =	shalt  }
0x77: {  	_ =	shalt  }
0x78: {  	_ =	shalt  }
0x79: {  	_ =	shalt  }
0x7a: {  	_ =	shalt  }
0x7b: {  	_ =	shalt  }
0x7c: {  	_ =	shalt  }
0x7d: {  	_ =	shalt  }
0x7e: {  	_ =	shalt  }
0x7f: {  	_ =	shalt  }
0x80: {  	_ =	shalt  }
0x81: {  	_ =	shalt  }
0x82: {  	_ =	shalt  }
0x83: {  	_ =	shalt  }
0x84: {  	_ =	shalt  }
0x85: {  	_ =	shalt  }
0x86: {  	_ =	shalt  }
0x87: {  	_ =	shalt  }
.Lfunc_end0:
.L_simem_size_0:
called_computation_lowered:
.L_overlay_start_0:
0x88: {  	s2 =	sld [smem:$0x3FD9]  }
0x89: {  	s3 =	sld [smem:$0x3FFE];
	_ =	sdelay $0x1  }
0x8a: {  	s1 =	srdreg.scid  }
0x8b: {  	s0 =	sand.u32 $0x1, s1  }
0x8c: {  	s16 =	sshll.u32 s0, $0xA;
	s2 =	sadd.s32 s3, s2  }
0x8d: {  	s2 =	sadd.s32 s2, s16  }
0x8e: {  	[smem:$0x3FC4] =	sst s2  }
0x8f: {  	_ = 	snop  }
0x90: {  	(tm) =	ssettm $0x1  }
0x91: {  	s17 =	sld [smem:$0x3FFB];
	_ =	sdelay $0x3  }
0x92: {  	_ =	strace s17  }
0x93: {  	s2 =	sld [smem:$0x3FFC];
	_ =	sdelay $0x3  }
0x94: {  	_ =	strace s2  }
0x95: {  	s2 =	sld [smem:$0x3FFD];
	_ =	sdelay $0x3  }
0x96: {  	_ =	strace s2  }
0x97: {  	_ =	strace $0x8FFFFFFF  }
0x98: {  	s18 =	sld [smem:$0x3FDB];
	_ =	sdelay $0x1  }
0x99: {  	s19 =	simm.s32 $_scs_section_size  }
0x9a: {  	s4 =	simm.s32 $_size__tile_overlayer_lowered;
	s5 =	simm.s32 $_tile_overlayer_lowered  }
0x9b: {  	s22 =	simm.s32 $0x1BFF;
	s21 =	sshll.u32 s5, $0x1;
	s2 =	sadd.s32 s19, s18  }
0x9c: {  	s6 =	simm.s32 $0x0;
	s20 =	sshll.u32 s4, $0x1;
	s4 =	sadd.s32 s21, s2  }
0x9d: {  	[timem:s6], [sflag:s22] =	dma.local [hbm:s4], s20  }
0x9e: {  	_ =	swait.ge [sflag:s22], s20  }
0x9f: {  	s3 =	ssub.s32 $0x0, s20;
	[sflag:s22] =	ssyncset.done $0x0  }
0xa0: {  	[sflag:s22] =	ssyncadd.s32 s3;
	_ =	sdelay $0x1  }
0xa1: {  	s23 =	simm.s32 $0x1B8B  }
0xa2: {  	_ =	swait.ge [sflag:s23], $0x1  }
0xa3: {  	[sflag:s23] =	ssyncset.done $0x0  }
0xa4: {  	s25 =	simm.s32 $0x1B8E;
	s24 =	sld [smem:$0x3FFE];
	[sflag:s23] =	ssyncadd.s32 $0xFFFFFFFF  }
0xa5: {  	s26 =	simm.s32 $execute0_lowered;
	[smem:$0x3FD2] =	sst s25  }
0xa6: {  	s4 =	sshll.u32 s26, $0x1;
	_ =	strace $0x80000046;
	[dreg:$0x1] =	wrdreg $0xFFFFFFFF  }
0xa7: {  	s28 =	simm.s32 $_size_execute0_lowered;
	s2 =	sadd.s32 s2, s4;
	[dreg:$0x0] =	wrdreg $0x0  }
0xa8: {  	s4 =	sshll.u32 s28, $0x1;
	[dreg:$0x2] =	wrdreg s2  }
0xa9: {  	[dreg:$0x3] =	wrdreg s4  }
0xaa: {  	[dreg:$0x4] =	wrdreg $0xC0  }
0xab: {  	_ =	task [dreg:s6], $0x5FFFF  }
0xac: {  	[dreg:$0x1] =	wrdreg $0xFFFFFFFF  }
0xad: {  	[dreg:$0x0] =	wrdreg $0x60  }
0xae: {  	[dreg:$0x2] =	wrdreg s24  }
0xaf: {  	[dreg:$0x3] =	wrdreg $0x9  }
0xb0: {  	_ =	task.clear_ibuf [dreg:s6], $0x4FFFF;
	_ =	strace $0x90000046  }
0xb1: {  	s29 =	simm.s32 $0x9;
	_ =	strace $0x80000048  }
0xb2: {  	_ =	swait.ge [sflag:s29], $0x1  }
0xb3: {  	[sflag:s29] =	ssyncadd.s32 $0xFFFFFFFF  }
0xb4: {  	_ =	strace $0x90000048  }
0xb5: {  	_ =	sfence  }
0xb6: {  	s30 =	sld [smem:$0x0];
	_ =	sdelay $0x2  }
0xb7: {  	s31 =	sshll.u32 s1, $0xD;
	s1 =	sshrl.u32 s1, $0x2  }
0xb8: {  	s3 =	sand.u32 $0x4000, s31;
	s1 =	sadd.s32 s1, s30  }
0xb9: {  	s0 =	sor.u32 s3, s0;
	s1 =	sshll.u32 s1, $0x11  }
0xba: {  	s0 =	sor.u32 s1, s0  }
0xbb: {  	s0 =	sadd.s32 $0x8F2B, s0  }
0xbc: {  	[sflag:s0] =	ssyncadd.remote.s32 $0x1  }
0xbd: {  	_ =	sfence.sel $0xFFFF  }
0xbe: {  	[dreg:$0x0] =	wrdreg $0xFFFFFFFF;
	(pc) =	sbr.abs _section_cstart, $3  }
0xbf: {  	[dreg:$0x1] =	wrdreg $0xFFFFFFFF  }
0xc0: {  	_ =	task.clear_ibuf [dreg:s6], $0x2FFFF;
	_ =	strace $0x9FFFFFFF  }
0xc1: {  	(tm) =	ssettm $0x7FFFFFFF  }
tec
execute0_lowered:
.L_overlay_start_1:
0x0: {  	(tag) =	ssettag $0x1  }
0x1: {  	s5 =	rddreg [dreg:$0x0]  }
0x2: {  	s2 =	srdreg.scid;
	s1 =	stileid.u32  }
0x3: {  	s0 =	rddreg [dreg:$0x1];
	s10 =	simm.s32 $0x2800;
	s11 =	simm.s32 $0x4F80  }
0x4: {  	s12 =	simm.s32 $0x80;
	s13 =	simm.s32 $0x400;
	s14 =	simm.s32 $0x0  }
0x5: {  	s4 =	sand.u32 $0x1, s2;
	s3 =	sshll.u32 s1, $0x1;
	s2 =	simm.s32 $0x0  }
0x6: {  	s6 =	sshrl.u32 s1, $0x2;
	s3 =	sor.u32 s4, s3;
	[smem:$0x7FF] =	sst s2  }
0x7: {  	s6 =	smul.u32 $0x13C00, s6;
	s31 =	ssub.s32 $0x2, s4;
	s7 =	sshll.u32 s3, $0x7  }
0x8: {  	_ =	strace $0x80000047;
	s8 =	smul.u32 $0x272, s3;
	s7 =	sand.u32 $0x380, s7  }
0x9: {  	s3 =	sadd.s32 $0xA000, s5;
	s9 =	sshrl.u32 s31, $0x1;
	s6 =	sor.u32 s6, s7  }
0xa: {  	s4 =	sadd.s32 s5, s8;
	s7 =	ssub.s32 s31, s9;
	s6 =	sshrl.u32 s6, $0x3  }
0xb: {  	s8 =	simm.s32 $0x1;
	s9 =	simm.s32 $0x1400;
	s6 =	sadd.s32 s6, s5  }
0xc: {  	v0 =	vimm.f32 $0.0e+00;
	s7 =	smax.u32 s7, $0x1;
	s5 =	sadd.s32 $0x5000, s4;
	s6 =	sadd.s32 $0xA600, s6  }
.LBB2_1:
0xd: {  	[tilespmem:s2], [sflag:$0x1] =	stream.linear.gather [hbm4b:s4+s2], $0x1390, $0x38;
	[tilespmem:$0x7700] =	vst v63  }
0xe: {  	_ =	swait.ge [sflag:s8], $0x1390  }
0xf: {  	[sflag:s8] =	ssyncset.done $0x0  }
0x10: {  	[sflag:s8] =	ssyncadd.s32 $0xFFFFEC70  }
0x11: {  	[tilespmem:s9], [sflag:$0x1] =	stream.linear.gather [hbm4b:s5+s2], $0x1390, $0x38;
	[tilespmem:$0x7700] =	vst v63  }
0x12: {  	_ =	swait.ge [sflag:s8], $0x1390  }
0x13: {  	[sflag:s8] =	ssyncset.done $0x0  }
0x14: {  	[sflag:s8] =	ssyncadd.s32 $0xFFFFEC70  }
0x15: {  	[tilespmem:s10], [sflag:$0x1] =	stream.linear.gather [hbm4b:s3+s2], $0x2780, $0x38;
	[tilespmem:$0x7700] =	vst v63  }
0x16: {  	_ =	swait.ge [sflag:s8], $0x2780  }
0x17: {  	[sflag:s8] =	ssyncset.done $0x0  }
0x18: {  	s15 =	simm.s32 $0x4FC0;
	[sflag:s8] =	ssyncadd.s32 $0xFFFFD880  }
0x19: {  	[tilespmem:s15+$0xFFFFFFC0] =	vst v0  }
0x1a: {  	[tilespmem:s15+$0x30] =	vst v0  }
0x1b: {  	[tilespmem:s15+$0x20] =	vst v0  }
0x1c: {  	[tilespmem:s15+$0x10] =	vst v0  }
0x1d: {  	[tilespmem:s15+$0x0] =	vst v0  }
0x1e: {  	[tilespmem:s15+$0xFFFFFFF0] =	vst v0  }
0x1f: {  	s18 =	simm.s32 $0x0;
	s16 =	simm.s32 $0x7680;
	[tilespmem:s15+$0xFFFFFFE0] =	vst v0  }
.LBB2_2:
0x20: {  	s18 =	sadd.s32 $0x80, s18;
	[tilespmem:s15+$0xFFFFFFD0] =	vst v0;
	s15 =	sadd.s32 $0x80, s15;
	s17 =	simm.s32 $0x26F0  }
0x21: {  	[tilespmem:s15+$0xFFFFFFC0] =	vst v0;
	p0 =	slt.u32 s18, $0x2680  }
0x22: {  	[tilespmem:s15+$0x30] =	vst v0  }
.Ltmp0:
0x23: {  	[tilespmem:s15+$0x20] =	vst v0;
	(pc) =	sbr.rel @p0 .LBB2_2-.Ltmp0, $4  }
0x24: {  	[tilespmem:s15+$0x10] =	vst v0  }
0x25: {  	[tilespmem:s15+$0x0] =	vst v0  }
0x26: {  	[tilespmem:s15+$0xFFFFFFF0] =	vst v0  }
0x27: {  	[tilespmem:s15+$0xFFFFFFE0] =	vst v0  }
0x28: {  	[tilespmem:s15+$0xFFFFFFD0] =	vst v0  }
.LBB2_4:
0x29: {  	s17 =	sadd.s32 $0x10, s17  }
0x2a: {  	p0 =	slt.u32 s17, $0x2710  }
.Ltmp1:
0x2b: {  	_ = 	snop;
	(pc) =	sbr.rel @p0 .LBB2_4-.Ltmp1, $2  }
0x2c: {  	_ =	sdelay $0x2  }
0x2d: {  	[tilespmem:s16+$0x0] =	vst v0;
	s16 =	sadd.s32 $0x10, s16;
	s18 =	simm.s32 $0x40;
	s15 =	simm.s32 $0x1440  }
0x2e: {  	v1 =	vld [tilespmem:s18+$0x30]  }
0x2f: {  	v2 =	vld [tilespmem:s18+$0xFFFFFFD0]  }
0x30: {  	v3 =	vld [tilespmem:s18+$0xFFFFFFE0]  }
0x31: {  	v4 =	vld [tilespmem:s18+$0xFFFFFFF0]  }
0x32: {  	v5 =	vld [tilespmem:s18+$0x0]  }
0x33: {  	v6 =	vld [tilespmem:s18+$0x10]  }
0x34: {  	v7 =	vld [tilespmem:s15+$0x30]  }
0x35: {  	v8 =	vld [tilespmem:s18+$0x20]  }
0x36: {  	v9 =	vld [tilespmem:s18+$0xFFFFFFC0]  }
0x37: {  	v63 =	vld [tilespmem:s15+$0xFFFFFFC0]  }
0x38: {  	v11 =	vld [tilespmem:s15+$0xFFFFFFD0]  }
0x39: {  	v12 =	vld [tilespmem:s15+$0xFFFFFFE0]  }
0x3a: {  	v13 =	vld [tilespmem:s15+$0xFFFFFFF0]  }
0x3b: {  	v14 =	vld [tilespmem:s15+$0x0]  }
0x3c: {  	v15 =	vld [tilespmem:s15+$0x10]  }
0x3d: {  	v1 =	vld.idx.msk [tilespmem:v1+s10+$0x0], $0xffff  }
0x3e: {  	v10 =	vld.idx.msk [tilespmem:v2+s10+$0x0], $0xffff  }
0x3f: {  	v3 =	vld.idx.msk [tilespmem:v3+s10+$0x0], $0xffff  }
0x40: {  	v4 =	vld.idx.msk [tilespmem:v4+s10+$0x0], $0xffff  }
0x41: {  	v5 =	vld.idx.msk [tilespmem:v5+s10+$0x0], $0xffff  }
0x42: {  	v62 =	vld.idx.msk [tilespmem:v9+s10+$0x0], $0xffff  }
0x43: {  	v6 =	vld.idx.msk [tilespmem:v6+s10+$0x0], $0xffff  }
0x44: {  	v2 =	vld [tilespmem:s15+$0x20]  }
0x45: {  	[tilespmem:v7+s11+$0x0] =	vst.idx.add.f32.msk $0xffff, v1  }
0x46: {  	v1 =	vld.idx.msk [tilespmem:v8+s10+$0x0], $0xffff  }
0x47: {  	[tilespmem:v63+s11+$0x0] =	vst.idx.add.f32.msk $0xffff, v62  }
0x48: {  	[tilespmem:v11+s11+$0x0] =	vst.idx.add.f32.msk $0xffff, v10  }
0x49: {  	[tilespmem:v12+s11+$0x0] =	vst.idx.add.f32.msk $0xffff, v3  }
0x4a: {  	[tilespmem:v13+s11+$0x0] =	vst.idx.add.f32.msk $0xffff, v4  }
0x4b: {  	[tilespmem:v14+s11+$0x0] =	vst.idx.add.f32.msk $0xffff, v5  }
0x4c: {  	s16 =	simm.s32 $0x0;
	s17 =	simm.s32 $0xC0;
	[tilespmem:v15+s11+$0x0] =	vst.idx.add.f32.msk $0xffff, v6  }
.LBB2_6:
0x4d: {  	v3 =	vld [tilespmem:s17+$0x30];
	s16 =	sadd.s32 $0x80, s16  }
0x4e: {  	v4 =	vld [tilespmem:s17+$0xFFFFFFD0];
	p0 =	slt.u32 s16, $0x1300  }
0x4f: {  	v5 =	vld [tilespmem:s17+$0xFFFFFFE0]  }
0x50: {  	v6 =	vld [tilespmem:s17+$0xFFFFFFF0]  }
0x51: {  	v7 =	vld [tilespmem:s17+$0x0]  }
0x52: {  	s15 =	sadd.s32 $0x80, s15;
	v8 =	vld [tilespmem:s17+$0x10]  }
0x53: {  	v9 =	vld [tilespmem:s15+$0x30]  }
0x54: {  	v10 =	vld [tilespmem:s17+$0x20]  }
0x55: {  	v3 =	vld.idx.msk [tilespmem:v3+s10+$0x0], $0xffff  }
0x56: {  	v11 =	vld [tilespmem:s17+$0xFFFFFFC0]  }
0x57: {  	v4 =	vld.idx.msk [tilespmem:v4+s10+$0x0], $0xffff  }
0x58: {  	v5 =	vld.idx.msk [tilespmem:v5+s10+$0x0], $0xffff  }
0x59: {  	v6 =	vld.idx.msk [tilespmem:v6+s10+$0x0], $0xffff  }
0x5a: {  	v7 =	vld.idx.msk [tilespmem:v7+s10+$0x0], $0xffff  }
0x5b: {  	[tilespmem:v9+s11+$0x0] =	vst.idx.add.f32.msk $0xffff, v3  }
0x5c: {  	v3 =	vld.idx.msk [tilespmem:v8+s10+$0x0], $0xffff  }
0x5d: {  	v8 =	vld.idx.msk [tilespmem:v10+s10+$0x0], $0xffff  }
0x5e: {  	v9 =	vld.idx.msk [tilespmem:v11+s10+$0x0], $0xffff  }
0x5f: {  	v10 =	vld [tilespmem:s15+$0xFFFFFFC0]  }
0x60: {  	v11 =	vld [tilespmem:s15+$0xFFFFFFD0]  }
0x61: {  	v12 =	vld [tilespmem:s15+$0xFFFFFFE0]  }
0x62: {  	v13 =	vld [tilespmem:s15+$0xFFFFFFF0]  }
0x63: {  	v14 =	vld [tilespmem:s15+$0x0]  }
0x64: {  	v15 =	vld [tilespmem:s15+$0x10]  }
0x65: {  	v16 =	vld [tilespmem:s15+$0x20]  }
0x66: {  	[tilespmem:v2+s11+$0x0] =	vst.idx.add.f32.msk $0xffff, v1;
	v1 =	vmov v8  }
0x67: {  	[tilespmem:v10+s11+$0x0] =	vst.idx.add.f32.msk $0xffff, v9  }
.Ltmp2:
0x68: {  	[tilespmem:v11+s11+$0x0] =	vst.idx.add.f32.msk $0xffff, v4;
	(pc) =	sbr.rel @p0 .LBB2_6-.Ltmp2, $4  }
0x69: {  	[tilespmem:v12+s11+$0x0] =	vst.idx.add.f32.msk $0xffff, v5  }
0x6a: {  	[tilespmem:v13+s11+$0x0] =	vst.idx.add.f32.msk $0xffff, v6;
	v2 =	vmov v16  }
0x6b: {  	[tilespmem:v14+s11+$0x0] =	vst.idx.add.f32.msk $0xffff, v7  }
0x6c: {  	s17 =	sadd.s32 $0x80, s17;
	[tilespmem:v15+s11+$0x0] =	vst.idx.add.f32.msk $0xffff, v3  }
0x6d: {  	_ =	sdelay $0x3  }
0x6e: {  	[tilespmem:v2+s11+$0x0] =	vst.idx.add.f32.msk $0xffff, v1  }
0x6f: {  	v1 =	vld [tilespmem:$0x1380];
	_ =	sdelay $0x4  }
0x70: {  	v2 =	vld [tilespmem:$0x2780];
	_ =	sdelay $0x2  }
0x71: {  	v1 =	vld.idx.msk [tilespmem:v1+s10+$0x0], $0xffff;
	_ =	sdelay $0x2  }
0x72: {  	s14 =	sadd.s32 $0x1, s14  }
0x73: {  	p0 =	sne.s32 s14, s7  }
.Ltmp3:
0x74: {  	[tilespmem:v2+s11+$0x0] =	vst.idx.add.f32.msk $0xffff, v1;
	(pc) =	sbr.rel @p0 .LBB2_1-.Ltmp3, $4  }
0x75: {  	[hbm4b:s6+s12] =	stream.strided.scatter [tilespmem:s11], [sflag:$0x1], $0x2780, s13, s12, $0x38;
	[tilespmem:$0x7700] =	vst v63  }
0x76: {  	_ =	swait.ge [sflag:s8], $0x2780  }
0x77: {  	[sflag:s8] =	ssyncset.done $0x0  }
0x78: {  	[sflag:s8] =	ssyncadd.s32 $0xFFFFD880  }
0x79: {  	_ =	sfence.sel $0x180000  }
0x7a: {  	[bflag:$0x0] =	sbarrier.arrive $0xFFFF  }
0x7b: {  	p0 =	sne.s32 s1, $0x0;
	_ =	strace $0x90000047  }
0x7c: {  	s0 =	sadd.s32 @!p0 $0x100000, s0;
	[bflag:$0x2] =	sbarrier.arrive $0xFFFF  }
0x7d: {  	[sflag:s0] =	ssyncadd.tile.s32 @!p0 $0x1;
	_ =	shalt  }
.Lfunc_end2:
_tile_overlayer_lowered:
.L_overlay_start_2:
0x7e: {  	(tag) =	ssettag $0x2  }
0x7f: {  	s0 =	rddreg [dreg:$0x0];
	s2 =	stileid.u32  }
0x80: {  	s1 =	rddreg [dreg:$0x1];
	p0 =	sne.s32 s2, $0x0  }
0x81: {  	s3 =	rddreg [dreg:$0x2];
	[bflag:$0x3] =	sbarrier.arrive $0xFFFF;
	s2 =	simm.s32 @!p0 $0x1C01  }
0x82: {  	[timem:s3], [sflag:s2] =	dma.local @!p0 [hbm:s0], s1  }
0x83: {  	s0 =	simm.s32 @!p0 $0x1  }
0x84: {  	_ =	swait.ge @!p0 [sflag:s0], s1  }
0x85: {  	s1 =	ssub.s32 @!p0 $0x0, s1;
	[sflag:s0] =	ssyncset.done @!p0 $0x0  }
0x86: {  	[sflag:s0] =	ssyncadd.s32 @!p0 s1  }
0x87: {  	[bflag:$0x3] =	sbarrier.arrive $0xFFFF  }
0x88: {  	_ =	shalt  }

</sc_bundles>
